<compile_context>
chip_gen: v7x
topology: tpu7x:2x2x1
jax: 0.10.2.dev20260603
libtpu: 0.0.44.dev20260713+nightly
codegen_flags: <defaults>
</compile_context>

<pallas_src>
import functools

import jax
import jax.numpy as jnp
from jax import lax
from jax.experimental import pallas as pl
from jax.experimental.pallas import tpu as pltpu
from jax.experimental.pallas import tpu_sc as plsc

B, L = 16384, 20
FEAT = 200
D_MODEL = 512
VPAD = 128

NC, NS = 2, 16
NW = NC * NS
TOTAL = B * L
BPW = TOTAL // NW
CHUNK = 80
NCHUNK = BPW // CHUNK
NRING = 2
NQUAD = NCHUNK // NRING

BB = 64
RGRID = B // BB


def _table_body(cbfv_ref, w_ref, b_ref, out_ref):
    acc = lax.dot_general(
        cbfv_ref[...], w_ref[...],
        dimension_numbers=(((1,), (1,)), ((), ())),
        preferred_element_type=jnp.float32,
    )
    out_ref[...] = acc + b_ref[...]


def _fuse_table(cbfv_pad, W, b2d):
    return pl.pallas_call(
        _table_body,
        out_shape=jax.ShapeDtypeStruct((VPAD, D_MODEL), jnp.float32),
    )(cbfv_pad, W, b2d)


@functools.cache
def _build_sc_gather():
    mesh = plsc.VectorSubcoreMesh(
        core_axis_name="c", subcore_axis_name="s", num_cores=NC, num_subcores=NS
    )
    return pl.kernel(
        _sc_gather_body,
        out_type=jax.ShapeDtypeStruct((TOTAL, D_MODEL), jnp.float32),
        mesh=mesh,
        scratch_types=[
            pltpu.VMEM((BPW,), jnp.int32),
            pltpu.VMEM((CHUNK, D_MODEL), jnp.float32),
            pltpu.VMEM((CHUNK, D_MODEL), jnp.float32),
            pltpu.SemaphoreType.DMA,
            pltpu.SemaphoreType.DMA,
            pltpu.SemaphoreType.DMA,
            pltpu.SemaphoreType.DMA,
        ],
    )


def _sc_gather_body(table_hbm, idx_hbm, out_hbm, idx_v,
                    b0, b1, g0, g1, w0, w1):
    wid = lax.axis_index("s") * NC + lax.axis_index("c")
    base = wid * BPW
    bufs = (b0, b1)
    gsems = (g0, g1)
    wsems = (w0, w1)

    pltpu.sync_copy(idx_hbm.at[pl.ds(base, BPW)], idx_v)
    tslice = table_hbm.at[pl.ds(wid * VPAD, VPAD)]

    def start_g(g, slot):
        pltpu.async_copy(
            tslice.at[idx_v.at[pl.ds(g * CHUNK, CHUNK)]], bufs[slot], gsems[slot]
        )

    def wait_g(slot):
        pltpu.make_async_copy(
            table_hbm.at[pl.ds(0, CHUNK)], bufs[slot], gsems[slot]
        ).wait()

    def start_w(g, slot):
        pltpu.async_copy(
            bufs[slot], out_hbm.at[pl.ds(base + g * CHUNK, CHUNK)], wsems[slot]
        )

    def wait_w(slot):
        pltpu.make_async_copy(
            table_hbm.at[pl.ds(0, CHUNK)], bufs[slot], wsems[slot]
        ).wait()

    for j in range(NRING):
        start_g(j, j)

    def quad(q, carry):
        g = NRING * q
        for j in range(NRING):
            wait_g(j)
            start_w(g + j, j)
        for j in range(NRING):
            wait_w(j)
            start_g(g + NRING + j, j)
        return carry

    lax.fori_loop(0, NQUAD - 1, quad, 0)

    g = NRING * (NQUAD - 1)
    for j in range(NRING):
        wait_g(j)
        start_w(g + j, j)
    for j in range(NRING):
        wait_w(j)


def _relayout_body(flat_ref, out_ref):
    out_ref[...] = flat_ref[...].reshape(BB, L, D_MODEL)


def _relayout(flat):
    return pl.pallas_call(
        _relayout_body,
        grid=(RGRID,),
        in_specs=[pl.BlockSpec((BB * L, D_MODEL), lambda i: (i, 0))],
        out_specs=pl.BlockSpec((BB, L, D_MODEL), lambda i: (i, 0, 0)),
        out_shape=jax.ShapeDtypeStruct((B, L, D_MODEL), jnp.float32),
    )(flat)


def kernel(src, cbfv, W, b):
    cbfv_pad = jnp.pad(cbfv, ((0, VPAD - cbfv.shape[0]), (0, 0)))
    table = _fuse_table(cbfv_pad, W, b.reshape(1, D_MODEL))
    idx = src.astype(jnp.int32).T.reshape(-1)
    table = jnp.tile(table, (NW, 1))
    flat = _build_sc_gather()(table, idx)
    return flat.reshape(L, B, D_MODEL).transpose(1, 0, 2)

# --- scband reference (transcript-rebuilt; emitter-appended) ---
"""Pipeline reference for scband-embedder-17291538334008 (READ-ONLY COPY).

The authoritative reference and input builder live on the scoring server;
editing this copy changes nothing except your own understanding.
"""

import jax, jax.numpy as jnp
import numpy as np

B, L = 16384, 20
VOCAB = 119  # 1 zero pad row + 118 elements
FEAT = 200   # mat2vec feature size
D_MODEL = 512


def setup_inputs(seed: int = 0) -> dict:
    key = jax.random.key(seed)
    k1, k2, k3, k4 = jax.random.split(key, 4)
    src = jax.random.randint(k1, (B, L), 0, VOCAB, dtype=jnp.int64 if jax.config.jax_enable_x64 else jnp.int32)
    # cbfv table: first row zeros (pad), rest from the elemental property csv (random stand-in)
    cbfv_body = jax.random.normal(k2, (VOCAB - 1, FEAT), dtype=jnp.float32)
    cbfv = jnp.concatenate([jnp.zeros((1, FEAT), dtype=jnp.float32), cbfv_body], axis=0)
    # nn.Linear(feat_size, d_model): W [d_model, feat], b [d_model]
    bound = 1.0 / np.sqrt(FEAT)
    W = jax.random.uniform(k3, (D_MODEL, FEAT), dtype=jnp.float32, minval=-bound, maxval=bound)
    b = jax.random.uniform(k4, (D_MODEL,), dtype=jnp.float32, minval=-bound, maxval=bound)
    return {"src": src, "cbfv": cbfv, "W": W, "b": b}


def reference(src, cbfv, W, b):
    # mat2vec_emb = self.cbfv(src)  -> embedding lookup (gather)
    mat2vec_emb = jnp.take(cbfv, src, axis=0)  # [B, L, FEAT]
    # x_emb = self.fc_mat2vec(mat2vec_emb)    -> linear
    x_emb = jnp.einsum('blf,df->bld', mat2vec_emb, W) + b
    return x_emb

if __name__ == "__main__":
    import jax
    _d = setup_inputs()
    print(jax.jit(kernel)(*tuple(_d.values())))

</pallas_src>

<mosaic_0001>
#map = affine_map<(d0, d1) -> (0, 0)>
#map1 = affine_map<(d0, d1) -> (0)>
module attributes {stable_mosaic.version = 14 : i64} {
  func.func @_sc_gather_body(%arg0: i32, %arg1: i32, %arg2: memref<4096x512xf32, #tpu.memory_space<hbm>>, %arg3: memref<327680xi32, #tpu.memory_space<hbm>>, %arg4: memref<327680x512xf32, #tpu.memory_space<hbm>>, %arg5: memref<10240xi32, #tpu.memory_space<vmem>>, %arg6: memref<80x512xf32, #tpu.memory_space<vmem>>, %arg7: memref<80x512xf32, #tpu.memory_space<vmem>>, %arg8: memref<!tpu.dma_semaphore, #tpu.memory_space<semaphore_mem>>, %arg9: memref<!tpu.dma_semaphore, #tpu.memory_space<semaphore_mem>>, %arg10: memref<!tpu.dma_semaphore, #tpu.memory_space<semaphore_mem>>, %arg11: memref<!tpu.dma_semaphore, #tpu.memory_space<semaphore_mem>>) attributes {dimension_semantics = [#tpu.dimension_semantics<core_parallel>, #tpu.dimension_semantics<subcore_parallel>], iteration_bounds = array<i64: 2, 16>, scalar_prefetch = 0 : i64, scratch_operands = 7 : i64, tpu.core_type = #tpu.core_type<sc_vector_subcore>, window_params = [{transform_indices = #map}, {transform_indices = #map1}, {transform_indices = #map}]} {
    %mul3A = arith.constant 2 : i32
    %mul3A_0 = arith.muli %arg1, %mul3A : i32
    %add3A = arith.addi %mul3A_0, %arg0 : i32
    %mul3A_1 = arith.constant 10240 : i32
    %mul3A_2 = arith.muli %add3A, %mul3A_1 : i32
    "tpu.region"() ({
      %run_scoped3A = tpu.sem_alloc : memref<!tpu.dma_semaphore, #tpu.memory_space<semaphore_mem>>
      %dma_start3A_58 = tpu.memref_slice %arg3[%mul3A_2] : memref<327680xi32, #tpu.memory_space<hbm>> -> memref<10240xi32, #tpu.memory_space<hbm>>
      %dma_start3A_59 = tpu.memref_slice %arg3[%mul3A_2] : memref<327680xi32, #tpu.memory_space<hbm>> -> memref<10240xi32, #tpu.memory_space<hbm>>
      tpu.enqueue_dma source(%dma_start3A_59 : memref<10240xi32, #tpu.memory_space<hbm>>) target(%arg5 : memref<10240xi32, #tpu.memory_space<vmem>>) target_semaphore(%run_scoped3A : memref<!tpu.dma_semaphore, #tpu.memory_space<semaphore_mem>>)
      %dma_wait3A_60 = tpu.memref_slice %arg3[%mul3A_2] : memref<327680xi32, #tpu.memory_space<hbm>> -> memref<10240xi32, #tpu.memory_space<hbm>>
      %dma_wait3A_61 = tpu.memref_slice %arg3[%mul3A_2] : memref<327680xi32, #tpu.memory_space<hbm>> -> memref<10240xi32, #tpu.memory_space<hbm>>
      tpu.wait_dma2 semaphore(%run_scoped3A : memref<!tpu.dma_semaphore, #tpu.memory_space<semaphore_mem>>) src(%dma_wait3A_61 : memref<10240xi32, #tpu.memory_space<hbm>>) dst(%arg5 : memref<10240xi32, #tpu.memory_space<vmem>>)
      tpu.yield
    }) : () -> ()
    %mul3A_3 = arith.constant 128 : i32
    %mul3A_4 = arith.muli %add3A, %mul3A_3 : i32
    %dma_start3A = arith.constant 0 : i32
    %dma_start3A_5 = tpu.memref_slice %arg5[%dma_start3A] : memref<10240xi32, #tpu.memory_space<vmem>> -> memref<80xi32, #tpu.memory_space<vmem>>
    %dma_start3A_6 = arith.constant 0 : i32
    %dma_start3A_7 = tpu.memref_slice %arg2[%mul3A_4, %dma_start3A_6] : memref<4096x512xf32, #tpu.memory_space<hbm>> -> memref<128x512xf32, #tpu.memory_space<hbm>>
    %dma_start3A_8 = arith.constant 0 : i32
    %dma_start3A_9 = arith.constant 0 : i32
    %dma_start3A_10 = tpu.memref_slice %dma_start3A_7[%dma_start3A_8, %dma_start3A_9] : memref<128x512xf32, #tpu.memory_space<hbm>> -> memref<128x512xf32, #tpu.memory_space<hbm>>
    tpu.enqueue_indirect_dma source(%dma_start3A_10 : memref<128x512xf32, #tpu.memory_space<hbm>>) target(%arg6 : memref<80x512xf32, #tpu.memory_space<vmem>>) offsets(%dma_start3A_5 : memref<80xi32, #tpu.memory_space<vmem>>) semaphore(%arg8 : memref<!tpu.dma_semaphore, #tpu.memory_space<semaphore_mem>>)
    %dma_start3A_11 = arith.constant 80 : i32
    %dma_start3A_12 = tpu.memref_slice %arg5[%dma_start3A_11] : memref<10240xi32, #tpu.memory_space<vmem>> -> memref<80xi32, #tpu.memory_space<vmem>>
    %dma_start3A_13 = arith.constant 0 : i32
    %dma_start3A_14 = tpu.memref_slice %arg2[%mul3A_4, %dma_start3A_13] : memref<4096x512xf32, #tpu.memory_space<hbm>> -> memref<128x512xf32, #tpu.memory_space<hbm>>
    %dma_start3A_15 = arith.constant 0 : i32
    %dma_start3A_16 = arith.constant 0 : i32
    %dma_start3A_17 = tpu.memref_slice %dma_start3A_14[%dma_start3A_15, %dma_start3A_16] : memref<128x512xf32, #tpu.memory_space<hbm>> -> memref<128x512xf32, #tpu.memory_space<hbm>>
    tpu.enqueue_indirect_dma source(%dma_start3A_17 : memref<128x512xf32, #tpu.memory_space<hbm>>) target(%arg7 : memref<80x512xf32, #tpu.memory_space<vmem>>) offsets(%dma_start3A_12 : memref<80xi32, #tpu.memory_space<vmem>>) semaphore(%arg9 : memref<!tpu.dma_semaphore, #tpu.memory_space<semaphore_mem>>)
    %scan3A = arith.constant 0 : i32
    %scan3A_18 = arith.constant 0 : i32
    %scan3A_19 = arith.constant 63 : i32
    %scan3A_20 = arith.addi %scan3A_18, %scan3A_19 : i32
    %scan3A_21 = arith.constant 1 : i32
    scf.for %scan3A_58 = %scan3A_18 to %scan3A_20 step %scan3A_21  : i32 {
      %mul3A_59 = arith.constant 2 : i32
      %mul3A_60 = arith.muli %mul3A_59, %scan3A_58 : i32
      %dma_wait3A_61 = arith.constant 0 : i32
      %dma_wait3A_62 = arith.constant 0 : i32
      %dma_wait3A_63 = tpu.memref_slice %arg2[%dma_wait3A_61, %dma_wait3A_62] : memref<4096x512xf32, #tpu.memory_space<hbm>> -> memref<80x512xf32, #tpu.memory_space<hbm>>
      %dma_wait3A_64 = arith.constant 0 : i32
      %dma_wait3A_65 = arith.constant 0 : i32
      %dma_wait3A_66 = tpu.memref_slice %arg2[%dma_wait3A_64, %dma_wait3A_65] : memref<4096x512xf32, #tpu.memory_space<hbm>> -> memref<80x512xf32, #tpu.memory_space<hbm>>
      tpu.wait_dma2 semaphore(%arg8 : memref<!tpu.dma_semaphore, #tpu.memory_space<semaphore_mem>>) src(%dma_wait3A_66 : memref<80x512xf32, #tpu.memory_space<hbm>>) dst(%arg6 : memref<80x512xf32, #tpu.memory_space<vmem>>)
      %add3A_67 = arith.constant 0 : i32
      %add3A_68 = arith.addi %mul3A_60, %add3A_67 : i32
      %mul3A_69 = arith.constant 80 : i32
      %mul3A_70 = arith.muli %add3A_68, %mul3A_69 : i32
      %add3A_71 = arith.addi %mul3A_2, %mul3A_70 : i32
      %dma_start3A_72 = arith.constant 0 : i32
      %dma_start3A_73 = tpu.memref_slice %arg4[%add3A_71, %dma_start3A_72] : memref<327680x512xf32, #tpu.memory_space<hbm>> -> memref<80x512xf32, #tpu.memory_space<hbm>>
      %dma_start3A_74 = arith.constant 0 : i32
      %dma_start3A_75 = tpu.memref_slice %arg4[%add3A_71, %dma_start3A_74] : memref<327680x512xf32, #tpu.memory_space<hbm>> -> memref<80x512xf32, #tpu.memory_space<hbm>>
      tpu.enqueue_dma source(%arg6 : memref<80x512xf32, #tpu.memory_space<vmem>>) target(%dma_start3A_75 : memref<80x512xf32, #tpu.memory_space<hbm>>) target_semaphore(%arg10 : memref<!tpu.dma_semaphore, #tpu.memory_space<semaphore_mem>>)
      %dma_wait3A_76 = arith.constant 0 : i32
      %dma_wait3A_77 = arith.constant 0 : i32
      %dma_wait3A_78 = tpu.memref_slice %arg2[%dma_wait3A_76, %dma_wait3A_77] : memref<4096x512xf32, #tpu.memory_space<hbm>> -> memref<80x512xf32, #tpu.memory_space<hbm>>
      %dma_wait3A_79 = arith.constant 0 : i32
      %dma_wait3A_80 = arith.constant 0 : i32
      %dma_wait3A_81 = tpu.memref_slice %arg2[%dma_wait3A_79, %dma_wait3A_80] : memref<4096x512xf32, #tpu.memory_space<hbm>> -> memref<80x512xf32, #tpu.memory_space<hbm>>
      tpu.wait_dma2 semaphore(%arg9 : memref<!tpu.dma_semaphore, #tpu.memory_space<semaphore_mem>>) src(%dma_wait3A_81 : memref<80x512xf32, #tpu.memory_space<hbm>>) dst(%arg7 : memref<80x512xf32, #tpu.memory_space<vmem>>)
      %add3A_82 = arith.constant 1 : i32
      %add3A_83 = arith.addi %mul3A_60, %add3A_82 : i32
      %mul3A_84 = arith.constant 80 : i32
      %mul3A_85 = arith.muli %add3A_83, %mul3A_84 : i32
      %add3A_86 = arith.addi %mul3A_2, %mul3A_85 : i32
      %dma_start3A_87 = arith.constant 0 : i32
      %dma_start3A_88 = tpu.memref_slice %arg4[%add3A_86, %dma_start3A_87] : memref<327680x512xf32, #tpu.memory_space<hbm>> -> memref<80x512xf32, #tpu.memory_space<hbm>>
      %dma_start3A_89 = arith.constant 0 : i32
      %dma_start3A_90 = tpu.memref_slice %arg4[%add3A_86, %dma_start3A_89] : memref<327680x512xf32, #tpu.memory_space<hbm>> -> memref<80x512xf32, #tpu.memory_space<hbm>>
      tpu.enqueue_dma source(%arg7 : memref<80x512xf32, #tpu.memory_space<vmem>>) target(%dma_start3A_90 : memref<80x512xf32, #tpu.memory_space<hbm>>) target_semaphore(%arg11 : memref<!tpu.dma_semaphore, #tpu.memory_space<semaphore_mem>>)
      %dma_wait3A_91 = arith.constant 0 : i32
      %dma_wait3A_92 = arith.constant 0 : i32
      %dma_wait3A_93 = tpu.memref_slice %arg2[%dma_wait3A_91, %dma_wait3A_92] : memref<4096x512xf32, #tpu.memory_space<hbm>> -> memref<80x512xf32, #tpu.memory_space<hbm>>
      %dma_wait3A_94 = arith.constant 0 : i32
      %dma_wait3A_95 = arith.constant 0 : i32
      %dma_wait3A_96 = tpu.memref_slice %arg2[%dma_wait3A_94, %dma_wait3A_95] : memref<4096x512xf32, #tpu.memory_space<hbm>> -> memref<80x512xf32, #tpu.memory_space<hbm>>
      tpu.wait_dma2 semaphore(%arg10 : memref<!tpu.dma_semaphore, #tpu.memory_space<semaphore_mem>>) src(%dma_wait3A_96 : memref<80x512xf32, #tpu.memory_space<hbm>>) dst(%arg6 : memref<80x512xf32, #tpu.memory_space<vmem>>)
      %add3A_97 = arith.constant 2 : i32
      %add3A_98 = arith.addi %mul3A_60, %add3A_97 : i32
      %add3A_99 = arith.constant 0 : i32
      %add3A_100 = arith.addi %add3A_98, %add3A_99 : i32
      %mul3A_101 = arith.constant 80 : i32
      %mul3A_102 = arith.muli %add3A_100, %mul3A_101 : i32
      %dma_start3A_103 = tpu.memref_slice %arg5[%mul3A_102] : memref<10240xi32, #tpu.memory_space<vmem>> -> memref<80xi32, #tpu.memory_space<vmem>>
      %dma_start3A_104 = arith.constant 0 : i32
      %dma_start3A_105 = tpu.memref_slice %arg2[%mul3A_4, %dma_start3A_104] : memref<4096x512xf32, #tpu.memory_space<hbm>> -> memref<128x512xf32, #tpu.memory_space<hbm>>
      %dma_start3A_106 = arith.constant 0 : i32
      %dma_start3A_107 = arith.constant 0 : i32
      %dma_start3A_108 = tpu.memref_slice %dma_start3A_105[%dma_start3A_106, %dma_start3A_107] : memref<128x512xf32, #tpu.memory_space<hbm>> -> memref<128x512xf32, #tpu.memory_space<hbm>>
      tpu.enqueue_indirect_dma source(%dma_start3A_108 : memref<128x512xf32, #tpu.memory_space<hbm>>) target(%arg6 : memref<80x512xf32, #tpu.memory_space<vmem>>) offsets(%dma_start3A_103 : memref<80xi32, #tpu.memory_space<vmem>>) semaphore(%arg8 : memref<!tpu.dma_semaphore, #tpu.memory_space<semaphore_mem>>)
      %dma_wait3A_109 = arith.constant 0 : i32
      %dma_wait3A_110 = arith.constant 0 : i32
      %dma_wait3A_111 = tpu.memref_slice %arg2[%dma_wait3A_109, %dma_wait3A_110] : memref<4096x512xf32, #tpu.memory_space<hbm>> -> memref<80x512xf32, #tpu.memory_space<hbm>>
      %dma_wait3A_112 = arith.constant 0 : i32
      %dma_wait3A_113 = arith.constant 0 : i32
      %dma_wait3A_114 = tpu.memref_slice %arg2[%dma_wait3A_112, %dma_wait3A_113] : memref<4096x512xf32, #tpu.memory_space<hbm>> -> memref<80x512xf32, #tpu.memory_space<hbm>>
      tpu.wait_dma2 semaphore(%arg11 : memref<!tpu.dma_semaphore, #tpu.memory_space<semaphore_mem>>) src(%dma_wait3A_114 : memref<80x512xf32, #tpu.memory_space<hbm>>) dst(%arg7 : memref<80x512xf32, #tpu.memory_space<vmem>>)
      %add3A_115 = arith.constant 2 : i32
      %add3A_116 = arith.addi %mul3A_60, %add3A_115 : i32
      %add3A_117 = arith.constant 1 : i32
      %add3A_118 = arith.addi %add3A_116, %add3A_117 : i32
      %mul3A_119 = arith.constant 80 : i32
      %mul3A_120 = arith.muli %add3A_118, %mul3A_119 : i32
      %dma_start3A_121 = tpu.memref_slice %arg5[%mul3A_120] : memref<10240xi32, #tpu.memory_space<vmem>> -> memref<80xi32, #tpu.memory_space<vmem>>
      %dma_start3A_122 = arith.constant 0 : i32
      %dma_start3A_123 = tpu.memref_slice %arg2[%mul3A_4, %dma_start3A_122] : memref<4096x512xf32, #tpu.memory_space<hbm>> -> memref<128x512xf32, #tpu.memory_space<hbm>>
      %dma_start3A_124 = arith.constant 0 : i32
      %dma_start3A_125 = arith.constant 0 : i32
      %dma_start3A_126 = tpu.memref_slice %dma_start3A_123[%dma_start3A_124, %dma_start3A_125] : memref<128x512xf32, #tpu.memory_space<hbm>> -> memref<128x512xf32, #tpu.memory_space<hbm>>
      tpu.enqueue_indirect_dma source(%dma_start3A_126 : memref<128x512xf32, #tpu.memory_space<hbm>>) target(%arg7 : memref<80x512xf32, #tpu.memory_space<vmem>>) offsets(%dma_start3A_121 : memref<80xi32, #tpu.memory_space<vmem>>) semaphore(%arg9 : memref<!tpu.dma_semaphore, #tpu.memory_space<semaphore_mem>>)
    }
    %scan3A_22 = arith.constant 63 : i32
    %dma_wait3A = arith.constant 0 : i32
    %dma_wait3A_23 = arith.constant 0 : i32
    %dma_wait3A_24 = tpu.memref_slice %arg2[%dma_wait3A, %dma_wait3A_23] : memref<4096x512xf32, #tpu.memory_space<hbm>> -> memref<80x512xf32, #tpu.memory_space<hbm>>
    %dma_wait3A_25 = arith.constant 0 : i32
    %dma_wait3A_26 = arith.constant 0 : i32
    %dma_wait3A_27 = tpu.memref_slice %arg2[%dma_wait3A_25, %dma_wait3A_26] : memref<4096x512xf32, #tpu.memory_space<hbm>> -> memref<80x512xf32, #tpu.memory_space<hbm>>
    tpu.wait_dma2 semaphore(%arg8 : memref<!tpu.dma_semaphore, #tpu.memory_space<semaphore_mem>>) src(%dma_wait3A_27 : memref<80x512xf32, #tpu.memory_space<hbm>>) dst(%arg6 : memref<80x512xf32, #tpu.memory_space<vmem>>)
    %add3A_28 = arith.constant 10080 : i32
    %add3A_29 = arith.addi %mul3A_2, %add3A_28 : i32
    %dma_start3A_30 = arith.constant 0 : i32
    %dma_start3A_31 = tpu.memref_slice %arg4[%add3A_29, %dma_start3A_30] : memref<327680x512xf32, #tpu.memory_space<hbm>> -> memref<80x512xf32, #tpu.memory_space<hbm>>
    %dma_start3A_32 = arith.constant 0 : i32
    %dma_start3A_33 = tpu.memref_slice %arg4[%add3A_29, %dma_start3A_32] : memref<327680x512xf32, #tpu.memory_space<hbm>> -> memref<80x512xf32, #tpu.memory_space<hbm>>
    tpu.enqueue_dma source(%arg6 : memref<80x512xf32, #tpu.memory_space<vmem>>) target(%dma_start3A_33 : memref<80x512xf32, #tpu.memory_space<hbm>>) target_semaphore(%arg10 : memref<!tpu.dma_semaphore, #tpu.memory_space<semaphore_mem>>)
    %dma_wait3A_34 = arith.constant 0 : i32
    %dma_wait3A_35 = arith.constant 0 : i32
    %dma_wait3A_36 = tpu.memref_slice %arg2[%dma_wait3A_34, %dma_wait3A_35] : memref<4096x512xf32, #tpu.memory_space<hbm>> -> memref<80x512xf32, #tpu.memory_space<hbm>>
    %dma_wait3A_37 = arith.constant 0 : i32
    %dma_wait3A_38 = arith.constant 0 : i32
    %dma_wait3A_39 = tpu.memref_slice %arg2[%dma_wait3A_37, %dma_wait3A_38] : memref<4096x512xf32, #tpu.memory_space<hbm>> -> memref<80x512xf32, #tpu.memory_space<hbm>>
    tpu.wait_dma2 semaphore(%arg9 : memref<!tpu.dma_semaphore, #tpu.memory_space<semaphore_mem>>) src(%dma_wait3A_39 : memref<80x512xf32, #tpu.memory_space<hbm>>) dst(%arg7 : memref<80x512xf32, #tpu.memory_space<vmem>>)
    %add3A_40 = arith.constant 10160 : i32
    %add3A_41 = arith.addi %mul3A_2, %add3A_40 : i32
    %dma_start3A_42 = arith.constant 0 : i32
    %dma_start3A_43 = tpu.memref_slice %arg4[%add3A_41, %dma_start3A_42] : memref<327680x512xf32, #tpu.memory_space<hbm>> -> memref<80x512xf32, #tpu.memory_space<hbm>>
    %dma_start3A_44 = arith.constant 0 : i32
    %dma_start3A_45 = tpu.memref_slice %arg4[%add3A_41, %dma_start3A_44] : memref<327680x512xf32, #tpu.memory_space<hbm>> -> memref<80x512xf32, #tpu.memory_space<hbm>>
    tpu.enqueue_dma source(%arg7 : memref<80x512xf32, #tpu.memory_space<vmem>>) target(%dma_start3A_45 : memref<80x512xf32, #tpu.memory_space<hbm>>) target_semaphore(%arg11 : memref<!tpu.dma_semaphore, #tpu.memory_space<semaphore_mem>>)
    %dma_wait3A_46 = arith.constant 0 : i32
    %dma_wait3A_47 = arith.constant 0 : i32
    %dma_wait3A_48 = tpu.memref_slice %arg2[%dma_wait3A_46, %dma_wait3A_47] : memref<4096x512xf32, #tpu.memory_space<hbm>> -> memref<80x512xf32, #tpu.memory_space<hbm>>
    %dma_wait3A_49 = arith.constant 0 : i32
    %dma_wait3A_50 = arith.constant 0 : i32
    %dma_wait3A_51 = tpu.memref_slice %arg2[%dma_wait3A_49, %dma_wait3A_50] : memref<4096x512xf32, #tpu.memory_space<hbm>> -> memref<80x512xf32, #tpu.memory_space<hbm>>
    tpu.wait_dma2 semaphore(%arg10 : memref<!tpu.dma_semaphore, #tpu.memory_space<semaphore_mem>>) src(%dma_wait3A_51 : memref<80x512xf32, #tpu.memory_space<hbm>>) dst(%arg6 : memref<80x512xf32, #tpu.memory_space<vmem>>)
    %dma_wait3A_52 = arith.constant 0 : i32
    %dma_wait3A_53 = arith.constant 0 : i32
    %dma_wait3A_54 = tpu.memref_slice %arg2[%dma_wait3A_52, %dma_wait3A_53] : memref<4096x512xf32, #tpu.memory_space<hbm>> -> memref<80x512xf32, #tpu.memory_space<hbm>>
    %dma_wait3A_55 = arith.constant 0 : i32
    %dma_wait3A_56 = arith.constant 0 : i32
    %dma_wait3A_57 = tpu.memref_slice %arg2[%dma_wait3A_55, %dma_wait3A_56] : memref<4096x512xf32, #tpu.memory_space<hbm>> -> memref<80x512xf32, #tpu.memory_space<hbm>>
    tpu.wait_dma2 semaphore(%arg11 : memref<!tpu.dma_semaphore, #tpu.memory_space<semaphore_mem>>) src(%dma_wait3A_57 : memref<80x512xf32, #tpu.memory_space<hbm>>) dst(%arg7 : memref<80x512xf32, #tpu.memory_space<vmem>>)
    return
  }
}

module attributes {stable_mosaic.version = 14 : i64} {
  func.func @_table_body(%arg0: memref<128x200xf32, #tpu.memory_space<vmem>>, %arg1: memref<512x200xf32, #tpu.memory_space<vmem>>, %arg2: memref<1x512xf32, #tpu.memory_space<vmem>>, %arg3: memref<128x512xf32, #tpu.memory_space<vmem>>) attributes {dimension_semantics = [], scalar_prefetch = 0 : i64, scratch_operands = 0 : i64, tpu.core_type = #tpu.core_type<tc>} {
    %get3A = arith.constant 0 : index
    %get3A_0 = arith.constant 0 : index
    %get3A_1 = vector.load %arg0[%get3A, %get3A_0] : memref<128x200xf32, #tpu.memory_space<vmem>>, vector<128x200xf32>
    %get3A_2 = arith.constant 0 : index
    %get3A_3 = arith.constant 0 : index
    %get3A_4 = vector.load %arg1[%get3A_2, %get3A_3] : memref<512x200xf32, #tpu.memory_space<vmem>>, vector<512x200xf32>
    %dot_general3A = arith.constant dense<0.000000e+00> : vector<128x512xf32>
    %dot_general3A_5 = tpu.matmul %get3A_1, %get3A_4, %dot_general3A {dimension_numbers = #tpu.dot_dimension_numbers<[1], [1], [0], [0], [0, 0, 1, 0], [], []>, transpose_lhs_hint = false} : vector<128x200xf32>, vector<512x200xf32>, vector<128x512xf32> -> vector<128x512xf32>
    %get3A_6 = arith.constant 0 : index
    %get3A_7 = arith.constant 0 : index
    %get3A_8 = vector.load %arg2[%get3A_6, %get3A_7] : memref<1x512xf32, #tpu.memory_space<vmem>>, vector<1x512xf32>
    %add3A = vector.broadcast %get3A_8 : vector<1x512xf32> to vector<128x512xf32>
    %add3A_9 = arith.addf %dot_general3A_5, %add3A : vector<128x512xf32>
    %swap3A = arith.constant 0 : index
    %swap3A_10 = arith.constant 0 : index
    %swap3A_11 = vector.load %arg3[%swap3A, %swap3A_10] : memref<128x512xf32, #tpu.memory_space<vmem>>, vector<128x512xf32>
    tpu.vector_store %arg3[%swap3A, %swap3A_10], %add3A_9 {strides = array<i32>} : memref<128x512xf32, #tpu.memory_space<vmem>>, vector<128x512xf32>,
    return
  }
}

</mosaic_0001>

<sc_bundles>
// kernel: kernel.4.cloned.1.call-start
scs
__scs_entry_jumppad:
0x0: {  	(pc) =	sbr.rel $0x88, $3  }
0x1: {  	(tag) =	ssettag $0x0;
	lr =	simm.s32 $0x1  }
0x2: {  	[smem:$0x3F9D] =	sst lr;
	_ =	strace $0xD0000000  }
0x3: {  	_ = 	snop  }
0x4: {  	_ = 	snop  }
0x5: {  	_ = 	snop  }
0x6: {  	_ = 	snop  }
0x7: {  	_ = 	snop  }
__scs_overlays_trampoline_lowered:
0x8: {  	[smem:$0x3FAC] =	sst s0  }
0x9: {  	[smem:$0x3FAD] =	sst s1  }
0xa: {  	[smem:$0x3FAE] =	sst s2  }
0xb: {  	[smem:$0x3FAF] =	sst s3  }
0xc: {  	[smem:$0x3FB0] =	sst s4  }
0xd: {  	[smem:$0x3FB1] =	sst s5  }
0xe: {  	[smem:$0x3FB2] =	sst s6  }
0xf: {  	[smem:$0x3FB3] =	sst s7  }
0x10: {  	[smem:$0x3FB4] =	sst s8  }
0x11: {  	[smem:$0x3FB5] =	sst s9;
	s0 =	simm.s32 @!p0 $0x0  }
0x12: {  	s1 =	sld [smem:$0x3F9B];
	s0 =	simm.s32 @p0 $0x1  }
0x13: {  	[smem:$0x3FB6] =	sst s0;
	s0 =	simm.s32 @!p1 $0x0  }
0x14: {  	s2 =	sld [smem:$0x3F9A];
	s0 =	simm.s32 @p1 $0x1  }
0x15: {  	[smem:$0x3FB7] =	sst s0;
	s0 =	simm.s32 @!p2 $0x0  }
0x16: {  	s3 =	sld [smem:$0x3FDB];
	s0 =	simm.s32 @p2 $0x1  }
0x17: {  	s4 =	simm.s32 $0x1BF5;
	[smem:$0x3FB9] =	sst s0  }
0x18: {  	s0 =	sld [smem:$0x3F9C];
	_ =	swait.ge [sflag:s4], $0x0  }
0x19: {  	s7 =	sld [smem:$0x3F9D]  }
0x1a: {  	s8 =	sadd.s32 $0xFFFFE003, lr  }
0x1b: {  	s9 =	sadd.s32 $0xFFFFFEF7, lr;
	s5 =	simm.s32 $0xFFFFFFFF;
	p2 =	slt.u32 s8, $0xFFFFF086  }
0x1c: {  	p1 =	slt.u32 s9, $0xF7A;
	s5 =	simm.s32 @!p2 $0x0  }
0x1d: {  	s5 =	simm.s32 @p1 $0x1;
	p0 =	seq.s32 s7, s2  }
0x1e: {  	s7 =	smul.u32 @!p0 $0xF7A, s2;
	p2 =	seq.s32 @!p0 s5, $0x0  }
0x1f: {  	s9 =	smul.u32 $0xF7A, s1;
	s8 =	simm.s32 @!p0 $0x1BF5;
	p2 =	por !p2, p0  }
0x20: {  	[sflag:s8] =	ssyncset.s32 @!p0 $0xFFFFF086;
	s6 =	sadd.s32 @!p0 s3, s7;
	s7 =	simm.s32 @!p0 $0x108  }
0x21: {  	s3 =	sadd.s32 s3, s9;
	s6 =	sadd.s32 @!p0 $0x88, s6;
	s7 =	simm.s32 @p2 $0x1082  }
0x22: {  	[simem:s7], [sflag:s8] =	dma.local @!p0 [hbm:s6], $0xF7A  }
0x23: {  	s9 =	sor.u32 $0xD0000000, s2;
	s6 =	simm.s32 $0x108;
	_ =	swait.ge @!p0 [sflag:s8], $0x0  }
0x24: {  	s3 =	sadd.s32 $0x88, s3;
	s6 =	simm.s32 @!p1 $0x1082;
	[sflag:s4] =	ssyncset.s32 $0xFFFFF086  }
0x25: {  	[simem:s6], [sflag:s4] =	dma.local [hbm:s3], $0xF7A  }
0x26: {  	[smem:$0x3F9D] =	sst s1;
	(tag) =	ssettag s2;
	_ =	strace s9  }
0x27: {  	s1 =	sld [smem:$0x3FAD]  }
0x28: {  	s2 =	sld [smem:$0x3FAE]  }
0x29: {  	s4 =	sld [smem:$0x3FB0]  }
0x2a: {  	p0 =	seq.s32 s5, $0x0;
	s5 =	sld [smem:$0x3FB1]  }
0x2b: {  	s6 =	sld [smem:$0x3FB2]  }
0x2c: {  	s7 =	sld [smem:$0x3FB3]  }
0x2d: {  	s3 =	simm.s32 $0x108;
	s8 =	sld [smem:$0x3FB4]  }
0x2e: {  	s3 =	simm.s32 @!p0 $0x1082;
	s9 =	sld [smem:$0x3FB5]  }
0x2f: {  	lr =	sadd.s32 s0, s3;
	s0 =	sld [smem:$0x3FAC]  }
0x30: {  	s3 =	sld [smem:$0x3FAF]  }
0x31: {  	[smem:$0x3FB8] =	sst s10  }
0x32: {  	s10 =	sld [smem:$0x3FB6];
	_ =	sdelay $0x3  }
0x33: {  	p0 =	seq.s32 s10, $0x1;
	s10 =	sld [smem:$0x3FB8];
	_ =	sdelay $0x3  }
0x34: {  	[smem:$0x3FB8] =	sst s10  }
0x35: {  	s10 =	sld [smem:$0x3FB7];
	_ =	sdelay $0x3  }
0x36: {  	p1 =	seq.s32 s10, $0x1;
	s10 =	sld [smem:$0x3FB8];
	_ =	sdelay $0x3  }
0x37: {  	[smem:$0x3FB8] =	sst s10  }
0x38: {  	s10 =	sld [smem:$0x3FB9]  }
0x39: {  	_ = 	snop;
	(pc) =	sbr.ind lr, $3  }
0x3a: {  	_ = 	snop  }
0x3b: {  	_ = 	snop  }
0x3c: {  	p2 =	seq.s32 s10, $0x1;
	s10 =	sld [smem:$0x3FB8]  }
0x3d: {  	_ =	shalt  }
0x3e: {  	_ =	shalt  }
0x3f: {  	_ =	shalt  }
0x40: {  	_ =	shalt  }
0x41: {  	_ =	shalt  }
0x42: {  	_ =	shalt  }
0x43: {  	_ =	shalt  }
0x44: {  	_ =	shalt  }
0x45: {  	_ =	shalt  }
0x46: {  	_ =	shalt  }
0x47: {  	_ =	shalt  }
0x48: {  	_ =	shalt  }
0x49: {  	_ =	shalt  }
0x4a: {  	_ =	shalt  }
0x4b: {  	_ =	shalt  }
0x4c: {  	_ =	shalt  }
0x4d: {  	_ =	shalt  }
0x4e: {  	_ =	shalt  }
0x4f: {  	_ =	shalt  }
0x50: {  	_ =	shalt  }
0x51: {  	_ =	shalt  }
0x52: {  	_ =	shalt  }
0x53: {  	_ =	shalt  }
0x54: {  	_ =	shalt  }
0x55: {  	_ =	shalt  }
0x56: {  	_ =	shalt  }
0x57: {  	_ =	shalt  }
0x58: {  	_ =	shalt  }
0x59: {  	_ =	shalt  }
0x5a: {  	_ =	shalt  }
0x5b: {  	_ =	shalt  }
0x5c: {  	_ =	shalt  }
0x5d: {  	_ =	shalt  }
0x5e: {  	_ =	shalt  }
0x5f: {  	_ =	shalt  }
0x60: {  	_ =	shalt  }
0x61: {  	_ =	shalt  }
0x62: {  	_ =	shalt  }
0x63: {  	_ =	shalt  }
0x64: {  	_ =	shalt  }
0x65: {  	_ =	shalt  }
0x66: {  	_ =	shalt  }
0x67: {  	_ =	shalt  }
0x68: {  	_ =	shalt  }
0x69: {  	_ =	shalt  }
0x6a: {  	_ =	shalt  }
0x6b: {  	_ =	shalt  }
0x6c: {  	_ =	shalt  }
0x6d: {  	_ =	shalt  }
0x6e: {  	_ =	shalt  }
0x6f: {  	_ =	shalt  }
0x70: {  	_ =	shalt  }
0x71: {  	_ =	shalt  }
0x72: {  	_ =	shalt  }
0x73: {  	_ =	shalt  }
0x74: {  	_ =	shalt  }
0x75: {  	_ =	shalt  }
0x76: {  	_ =	shalt  }
0x77: {  	_ =	shalt  }
0x78: {  	_ =	shalt  }
0x79: {  	_ =	shalt  }
0x7a: {  	_ =	shalt  }
0x7b: {  	_ =	shalt  }
0x7c: {  	_ =	shalt  }
0x7d: {  	_ =	shalt  }
0x7e: {  	_ =	shalt  }
0x7f: {  	_ =	shalt  }
0x80: {  	_ =	shalt  }
0x81: {  	_ =	shalt  }
0x82: {  	_ =	shalt  }
0x83: {  	_ =	shalt  }
0x84: {  	_ =	shalt  }
0x85: {  	_ =	shalt  }
0x86: {  	_ =	shalt  }
0x87: {  	_ =	shalt  }
.Lfunc_end0:
.L_simem_size_0:
called_computation_lowered:
.L_overlay_start_0:
0x88: {  	s2 =	sld [smem:$0x3FD9]  }
0x89: {  	s3 =	sld [smem:$0x3FFE];
	_ =	sdelay $0x1  }
0x8a: {  	s1 =	srdreg.scid  }
0x8b: {  	s0 =	sand.u32 $0x1, s1  }
0x8c: {  	s17 =	sshll.u32 s0, $0xA;
	s2 =	sadd.s32 s3, s2  }
0x8d: {  	s2 =	sadd.s32 s2, s17  }
0x8e: {  	[smem:$0x3FC4] =	sst s2  }
0x8f: {  	_ = 	snop  }
0x90: {  	s2 =	sld [smem:$0x3FD0];
	(tm) =	ssettm $0x1  }
0x91: {  	s18 =	sld [smem:$0x3FFB];
	_ =	sdelay $0x3  }
0x92: {  	_ =	strace s18  }
0x93: {  	s3 =	sld [smem:$0x3FFC];
	_ =	sdelay $0x3  }
0x94: {  	_ =	strace s3  }
0x95: {  	s3 =	sld [smem:$0x3FFD];
	_ =	sdelay $0x3  }
0x96: {  	_ =	strace s3  }
0x97: {  	_ =	strace $0x8FFFFFFF  }
0x98: {  	s19 =	sld [smem:$0x3FDB];
	_ =	sdelay $0x1  }
0x99: {  	s4 =	simm.s32 $_scs_section_size  }
0x9a: {  	s5 =	simm.s32 $_size__tile_overlayer_lowered;
	s6 =	simm.s32 $_tile_overlayer_lowered  }
0x9b: {  	s22 =	simm.s32 $0x1BFF;
	s21 =	sshll.u32 s6, $0x1;
	s3 =	sadd.s32 s4, s19  }
0x9c: {  	s7 =	simm.s32 $0x0;
	s20 =	sshll.u32 s5, $0x1;
	s5 =	sadd.s32 s21, s3  }
0x9d: {  	[timem:s7], [sflag:s22] =	dma.local [hbm:s5], s20  }
0x9e: {  	_ =	swait.ge [sflag:s22], s20  }
0x9f: {  	s4 =	ssub.s32 $0x0, s20;
	[sflag:s22] =	ssyncset.done $0x0  }
0xa0: {  	[sflag:s22] =	ssyncadd.s32 s4;
	_ =	sdelay $0x1  }
0xa1: {  	s23 =	simm.s32 $0x1B8B  }
0xa2: {  	_ =	swait.ge [sflag:s23], $0x1  }
0xa3: {  	[sflag:s23] =	ssyncset.done $0x0  }
0xa4: {  	s25 =	simm.s32 $0x1B8E;
	s24 =	sld [smem:$0x3FFE];
	[sflag:s23] =	ssyncadd.s32 $0xFFFFFFFF  }
0xa5: {  	s26 =	simm.s32 $execute0_lowered;
	[smem:$0x3FD2] =	sst s25  }
0xa6: {  	s5 =	sshll.u32 s26, $0x1;
	_ =	strace $0x80000046;
	[dreg:$0x1] =	wrdreg $0xFFFFFFFF  }
0xa7: {  	s28 =	simm.s32 $_size_execute0_lowered;
	s3 =	sadd.s32 s3, s5;
	[dreg:$0x0] =	wrdreg $0x0  }
0xa8: {  	s5 =	sshll.u32 s28, $0x1;
	[dreg:$0x2] =	wrdreg s3  }
0xa9: {  	[dreg:$0x3] =	wrdreg s5  }
0xaa: {  	[dreg:$0x4] =	wrdreg $0xC0  }
0xab: {  	_ =	task [dreg:s7], $0x5FFFF  }
0xac: {  	[dreg:$0x1] =	wrdreg $0xFFFFFFFF  }
0xad: {  	[dreg:$0x0] =	wrdreg $0x60  }
0xae: {  	[dreg:$0x2] =	wrdreg s24  }
0xaf: {  	[dreg:$0x3] =	wrdreg s2  }
0xb0: {  	[dreg:$0x4] =	wrdreg $0x9  }
0xb1: {  	_ =	task.clear_ibuf [dreg:s7], $0x5FFFF;
	_ =	strace $0x90000046  }
0xb2: {  	s29 =	simm.s32 $0x9;
	_ =	strace $0x80000048  }
0xb3: {  	_ =	swait.ge [sflag:s29], $0x1  }
0xb4: {  	[sflag:s29] =	ssyncadd.s32 $0xFFFFFFFF  }
0xb5: {  	_ =	strace $0x90000048  }
0xb6: {  	_ =	sfence  }
0xb7: {  	s30 =	sld [smem:$0x0];
	_ =	sdelay $0x2  }
0xb8: {  	s31 =	sshll.u32 s1, $0xD;
	s1 =	sshrl.u32 s1, $0x2  }
0xb9: {  	s3 =	sand.u32 $0x4000, s31;
	s1 =	sadd.s32 s1, s30  }
0xba: {  	s0 =	sor.u32 s3, s0;
	s1 =	sshll.u32 s1, $0x11  }
0xbb: {  	s0 =	sor.u32 s1, s0  }
0xbc: {  	s0 =	sadd.s32 $0x8F2B, s0  }
0xbd: {  	[sflag:s0] =	ssyncadd.remote.s32 $0x1  }
0xbe: {  	_ =	sfence.sel $0xFFFF  }
0xbf: {  	[dreg:$0x0] =	wrdreg $0xFFFFFFFF;
	(pc) =	sbr.abs _section_cstart, $3  }
0xc0: {  	[dreg:$0x1] =	wrdreg $0xFFFFFFFF  }
0xc1: {  	_ =	task.clear_ibuf [dreg:s7], $0x2FFFF;
	_ =	strace $0x9FFFFFFF  }
0xc2: {  	(tm) =	ssettm $0x7FFFFFFF  }
0xc3: {  	_ =	shalt  }
tec
execute0_lowered:
.L_overlay_start_1:
0x0: {  	(tag) =	ssettag $0x1  }
0x1: {  	s0 =	rddreg [dreg:$0x0];
	s1 =	srdreg.scid  }
0x2: {  	s8 =	stileid.u32;
	s3 =	rddreg [dreg:$0x1];
	s2 =	simm.s32 $0x0  }
0x3: {  	s31 =	simm.s32 $0x2800;
	s30 =	simm.s32 $0x3000;
	s29 =	simm.s32 $0x3800  }
0x4: {  	s11 =	simm.s32 $0x7000;
	s12 =	simm.s32 $0x7800;
	s13 =	simm.s32 $0x8000  }
0x5: {  	s14 =	simm.s32 $0x8800;
	s15 =	simm.s32 $0x9000;
	s16 =	simm.s32 $0x9800  }
0x6: {  	s17 =	simm.s32 $0xA000;
	s18 =	simm.s32 $0xA800;
	s19 =	simm.s32 $0xB000  }
0x7: {  	s20 =	simm.s32 $0xB800;
	s21 =	simm.s32 $0xC000;
	s9 =	simm.s32 $0xD800  }
0x8: {  	s1 =	sand.u32 $0x1, s1;
	s4 =	sshll.u32 s8, $0x1;
	s23 =	smul.u32 $0x140000, s8  }
0x9: {  	s4 =	sor.u32 s1, s4;
	s7 =	ssub.s32 $0x2, s1;
	s1 =	smul.u32 $0xA0000, s1  }
0xa: {  	[smem:$0x7FF] =	sst s2;
	s8 =	simm.s32 $0x6800;
	s5 =	smul.u32 $0x2800, s4  }
0xb: {  	_ =	strace $0x80000047;
	s6 =	sshll.u32 s4, $0xD;
	s4 =	smul.u32 $0x500000, s4  }
0xc: {  	s22 =	sshrl.u32 s7, $0x1;
	s6 =	sadd.s32 s6, s0;
	s5 =	sshrl.u32 s5, $0x3  }
0xd: {  	s4 =	sshrl.u32 s4, $0x3;
	s0 =	sadd.s32 s5, s0;
	s5 =	ssub.s32 s7, s22  }
0xe: {  	s24 =	sadd.s32 s3, s4;
	s4 =	sadd.s32 $0xA600, s6;
	s3 =	sadd.s32 s23, s3  }
0xf: {  	s6 =	simm.s32 $0x5800;
	s7 =	simm.s32 $0x6000;
	s22 =	simm.s32 $0xD000  }
0x10: {  	s23 =	simm.s32 $0x1;
	s0 =	sadd.s32 $0x600, s0;
	s25 =	sadd.s32 $0x9D800, s24  }
0x11: {  	s26 =	smax.u32 s5, $0x1;
	s28 =	sadd.s32 s1, s3;
	[dreg:$0x4] =	wrdreg s0  }
0x12: {  	s10 =	sadd.s32 $0x100, s4;
	s3 =	simm.s32 $0x4800;
	[dreg:$0x5] =	wrdreg s25  }
0x13: {  	s5 =	simm.s32 $0x5000;
	s1 =	simm.s32 $0xC800;
	[dreg:$0x7] =	wrdreg s26  }
0x14: {  	v2 =	vlaneseq.u32;
	s0 =	sadd.s32 $0x9EC00, s24;
	[dreg:$0x3] =	wrdreg s28;
	s24 =	simm.s32 $0x2  }
0x15: {  	vm0 =	vmmov $0xffff;
	v1 =	vshrl.u32 v2, $0x3;
	s25 =	simm.s32 $0x3;
	s28 =	simm.s32 $0x0;
	[dreg:$0x6] =	wrdreg s0  }
0x16: {  	v0 =	vand.u32 $0x7, v2;
	v2 =	vor.u32 $0x8, v2;
	v1 =	vmul.u32 $0x8, v1;
	s26 =	simm.s32 $0x4;
	s0 =	simm.s32 $0x4000;
	[dreg:$0x8] =	wrdreg s28  }
.LBB2_1:
0x17: {  	s28 =	rddreg [dreg:$0x4]  }
0x18: {  	[tilespmem:s2], [sflag:$0x5] =	stream.linear.gather [hbm4b:s28+s2], $0x2800, $0x38;
	[tilespmem:$0x16800] =	vst v63  }
0x19: {  	s28 =	simm.s32 $0x5  }
0x1a: {  	_ =	swait.ge [sflag:s28], $0x2800  }
0x1b: {  	[sflag:s28] =	ssyncset.done $0x0  }
0x1c: {  	[sflag:s28] =	ssyncadd.s32 $0xFFFFD800  }
0x1d: {  	v3 =	vld [tilespmem:$0x0];
	_ =	sdelay $0x4  }
0x1e: {  	v4 =	vshll.u32 v3, $0x2  }
0x1f: {  	v3 =	vand.u32 $0x7, v3;
	v4 =	vand.u32 $0xFFFFFFE0, v4  }
0x20: {  	v3 =	vor.u32 v3, v4  }
0x21: {  	v4 =	vperm.xlane v3, v0;
	_ =	sdelay $0x1  }
0x22: {  	v4 =	vadd.s32 v1, v4;
	_ =	sdelay $0x1  }
0x23: {  	v3 =	vperm.xlane v3, v2;
	_ =	sdelay $0x1  }
0x24: {  	v3 =	vadd.s32 v1, v3  }
0x25: {  	[tilespmem:s31], [sflag:$0x1] =	stream.indirect_vreg.gather [hbm4b:s4+s2], $0x80, v4, vm0, $0xb8;
	[tilespmem:$0x16800] =	vst v63  }
0x26: {  	_ = 	snop  }
0x27: {  	[tilespmem:s30], [sflag:$0x1] =	stream.indirect_vreg.gather [hbm4b:s10+s2], $0x80, v4, vm0, $0xb8;
	[tilespmem:$0x16800] =	vst v63  }
0x28: {  	_ = 	snop  }
0x29: {  	[tilespmem:s29], [sflag:$0x1] =	stream.indirect_vreg.gather [hbm4b:s4+s2], $0x80, v3, vm0, $0xb8;
	[tilespmem:$0x16800] =	vst v63  }
0x2a: {  	_ = 	snop  }
0x2b: {  	[tilespmem:s0], [sflag:$0x1] =	stream.indirect_vreg.gather [hbm4b:s10+s2], $0x80, v3, vm0, $0xb8;
	[tilespmem:$0x16800] =	vst v63  }
0x2c: {  	v3 =	vld [tilespmem:$0x10];
	_ =	sdelay $0x4  }
0x2d: {  	v55 =	vshll.u32 v3, $0x2  }
0x2e: {  	v3 =	vand.u32 $0x7, v3;
	v4 =	vand.u32 $0xFFFFFFE0, v55  }
0x2f: {  	v3 =	vor.u32 v3, v4  }
0x30: {  	v4 =	vperm.xlane v3, v0;
	_ =	sdelay $0x1  }
0x31: {  	v4 =	vadd.s32 v1, v4;
	_ =	sdelay $0x1  }
0x32: {  	v3 =	vperm.xlane v3, v2;
	_ =	sdelay $0x1  }
0x33: {  	v3 =	vadd.s32 v1, v3  }
0x34: {  	[tilespmem:s3], [sflag:$0x1] =	stream.indirect_vreg.gather [hbm4b:s4+s2], $0x80, v4, vm0, $0xb8;
	[tilespmem:$0x16800] =	vst v63  }
0x35: {  	_ = 	snop  }
0x36: {  	[tilespmem:s5], [sflag:$0x1] =	stream.indirect_vreg.gather [hbm4b:s10+s2], $0x80, v4, vm0, $0xb8;
	[tilespmem:$0x16800] =	vst v63  }
0x37: {  	_ = 	snop  }
0x38: {  	[tilespmem:s6], [sflag:$0x1] =	stream.indirect_vreg.gather [hbm4b:s4+s2], $0x80, v3, vm0, $0xb8;
	[tilespmem:$0x16800] =	vst v63  }
0x39: {  	_ = 	snop  }
0x3a: {  	[tilespmem:s7], [sflag:$0x1] =	stream.indirect_vreg.gather [hbm4b:s10+s2], $0x80, v3, vm0, $0xb8;
	[tilespmem:$0x16800] =	vst v63  }
0x3b: {  	v3 =	vld [tilespmem:$0x20];
	_ =	sdelay $0x4  }
0x3c: {  	v56 =	vshll.u32 v3, $0x2  }
0x3d: {  	v3 =	vand.u32 $0x7, v3;
	v4 =	vand.u32 $0xFFFFFFE0, v56  }
0x3e: {  	v3 =	vor.u32 v3, v4  }
0x3f: {  	v4 =	vperm.xlane v3, v0;
	_ =	sdelay $0x1  }
0x40: {  	v4 =	vadd.s32 v1, v4;
	_ =	sdelay $0x1  }
0x41: {  	v3 =	vperm.xlane v3, v2;
	_ =	sdelay $0x1  }
0x42: {  	v3 =	vadd.s32 v1, v3  }
0x43: {  	[tilespmem:s8], [sflag:$0x1] =	stream.indirect_vreg.gather [hbm4b:s4+s2], $0x80, v4, vm0, $0xb8;
	[tilespmem:$0x16800] =	vst v63  }
0x44: {  	_ = 	snop  }
0x45: {  	[tilespmem:s11], [sflag:$0x1] =	stream.indirect_vreg.gather [hbm4b:s10+s2], $0x80, v4, vm0, $0xb8;
	[tilespmem:$0x16800] =	vst v63  }
0x46: {  	_ = 	snop  }
0x47: {  	[tilespmem:s12], [sflag:$0x1] =	stream.indirect_vreg.gather [hbm4b:s4+s2], $0x80, v3, vm0, $0xb8;
	[tilespmem:$0x16800] =	vst v63  }
0x48: {  	_ = 	snop  }
0x49: {  	[tilespmem:s13], [sflag:$0x1] =	stream.indirect_vreg.gather [hbm4b:s10+s2], $0x80, v3, vm0, $0xb8;
	[tilespmem:$0x16800] =	vst v63  }
0x4a: {  	v3 =	vld [tilespmem:$0x30];
	_ =	sdelay $0x4  }
0x4b: {  	v57 =	vshll.u32 v3, $0x2  }
0x4c: {  	v3 =	vand.u32 $0x7, v3;
	v4 =	vand.u32 $0xFFFFFFE0, v57  }
0x4d: {  	v3 =	vor.u32 v3, v4  }
0x4e: {  	v4 =	vperm.xlane v3, v0;
	_ =	sdelay $0x1  }
0x4f: {  	v4 =	vadd.s32 v1, v4;
	_ =	sdelay $0x1  }
0x50: {  	v3 =	vperm.xlane v3, v2;
	_ =	sdelay $0x1  }
0x51: {  	v3 =	vadd.s32 v1, v3  }
0x52: {  	[tilespmem:s14], [sflag:$0x1] =	stream.indirect_vreg.gather [hbm4b:s4+s2], $0x80, v4, vm0, $0xb8;
	[tilespmem:$0x16800] =	vst v63  }
0x53: {  	_ = 	snop  }
0x54: {  	[tilespmem:s15], [sflag:$0x1] =	stream.indirect_vreg.gather [hbm4b:s10+s2], $0x80, v4, vm0, $0xb8;
	[tilespmem:$0x16800] =	vst v63  }
0x55: {  	_ = 	snop  }
0x56: {  	[tilespmem:s16], [sflag:$0x1] =	stream.indirect_vreg.gather [hbm4b:s4+s2], $0x80, v3, vm0, $0xb8;
	[tilespmem:$0x16800] =	vst v63  }
0x57: {  	_ = 	snop  }
0x58: {  	[tilespmem:s17], [sflag:$0x1] =	stream.indirect_vreg.gather [hbm4b:s10+s2], $0x80, v3, vm0, $0xb8;
	[tilespmem:$0x16800] =	vst v63  }
0x59: {  	v3 =	vld [tilespmem:$0x40];
	_ =	sdelay $0x4  }
0x5a: {  	v58 =	vshll.u32 v3, $0x2  }
0x5b: {  	v3 =	vand.u32 $0x7, v3;
	v4 =	vand.u32 $0xFFFFFFE0, v58  }
0x5c: {  	v3 =	vor.u32 v3, v4  }
0x5d: {  	v4 =	vperm.xlane v3, v0;
	_ =	sdelay $0x1  }
0x5e: {  	v4 =	vadd.s32 v1, v4;
	_ =	sdelay $0x1  }
0x5f: {  	v3 =	vperm.xlane v3, v2;
	_ =	sdelay $0x1  }
0x60: {  	v3 =	vadd.s32 v1, v3  }
0x61: {  	[tilespmem:s18], [sflag:$0x1] =	stream.indirect_vreg.gather [hbm4b:s4+s2], $0x80, v4, vm0, $0xb8;
	[tilespmem:$0x16800] =	vst v63  }
0x62: {  	_ = 	snop  }
0x63: {  	[tilespmem:s19], [sflag:$0x1] =	stream.indirect_vreg.gather [hbm4b:s10+s2], $0x80, v4, vm0, $0xb8;
	[tilespmem:$0x16800] =	vst v63  }
0x64: {  	_ = 	snop  }
0x65: {  	[tilespmem:s20], [sflag:$0x1] =	stream.indirect_vreg.gather [hbm4b:s4+s2], $0x80, v3, vm0, $0xb8;
	[tilespmem:$0x16800] =	vst v63  }
0x66: {  	_ = 	snop  }
0x67: {  	[tilespmem:s21], [sflag:$0x1] =	stream.indirect_vreg.gather [hbm4b:s10+s2], $0x80, v3, vm0, $0xb8;
	[tilespmem:$0x16800] =	vst v63  }
0x68: {  	v3 =	vld [tilespmem:$0x50];
	_ =	sdelay $0x4  }
0x69: {  	v59 =	vshll.u32 v3, $0x2  }
0x6a: {  	v3 =	vand.u32 $0x7, v3;
	v4 =	vand.u32 $0xFFFFFFE0, v59  }
0x6b: {  	v3 =	vor.u32 v3, v4  }
0x6c: {  	v4 =	vperm.xlane v3, v0;
	_ =	sdelay $0x1  }
0x6d: {  	v4 =	vadd.s32 v1, v4;
	_ =	sdelay $0x1  }
0x6e: {  	v3 =	vperm.xlane v3, v2;
	_ =	sdelay $0x1  }
0x6f: {  	v3 =	vadd.s32 v1, v3  }
0x70: {  	[tilespmem:s1], [sflag:$0x2] =	stream.indirect_vreg.gather [hbm4b:s4+s2], $0x80, v4, vm0, $0xb8;
	[tilespmem:$0x16800] =	vst v63  }
0x71: {  	_ = 	snop  }
0x72: {  	[tilespmem:s22], [sflag:$0x2] =	stream.indirect_vreg.gather [hbm4b:s10+s2], $0x80, v4, vm0, $0xb8;
	[tilespmem:$0x16800] =	vst v63  }
0x73: {  	_ = 	snop  }
0x74: {  	[tilespmem:s9], [sflag:$0x2] =	stream.indirect_vreg.gather [hbm4b:s4+s2], $0x80, v3, vm0, $0xb8;
	[tilespmem:$0x16800] =	vst v63  }
0x75: {  	s9 =	simm.s32 $0xE000  }
0x76: {  	[tilespmem:s9], [sflag:$0x2] =	stream.indirect_vreg.gather [hbm4b:s10+s2], $0x80, v3, vm0, $0xb8;
	[tilespmem:$0x16800] =	vst v63  }
0x77: {  	v3 =	vld [tilespmem:$0x60];
	_ =	sdelay $0x4  }
0x78: {  	v60 =	vshll.u32 v3, $0x2  }
0x79: {  	v3 =	vand.u32 $0x7, v3;
	v4 =	vand.u32 $0xFFFFFFE0, v60  }
0x7a: {  	v3 =	vor.u32 v3, v4  }
0x7b: {  	v4 =	vperm.xlane v3, v0;
	_ =	sdelay $0x1  }
0x7c: {  	v4 =	vadd.s32 v1, v4;
	_ =	sdelay $0x1  }
0x7d: {  	v3 =	vperm.xlane v3, v2;
	_ =	sdelay $0x1  }
0x7e: {  	s11 =	simm.s32 $0xE800;
	v3 =	vadd.s32 v1, v3  }
0x7f: {  	[tilespmem:s11], [sflag:$0x2] =	stream.indirect_vreg.gather [hbm4b:s4+s2], $0x80, v4, vm0, $0xb8;
	[tilespmem:$0x16800] =	vst v63  }
0x80: {  	s12 =	simm.s32 $0xF000  }
0x81: {  	[tilespmem:s12], [sflag:$0x2] =	stream.indirect_vreg.gather [hbm4b:s10+s2], $0x80, v4, vm0, $0xb8;
	[tilespmem:$0x16800] =	vst v63  }
0x82: {  	s13 =	simm.s32 $0xF800  }
0x83: {  	[tilespmem:s13], [sflag:$0x2] =	stream.indirect_vreg.gather [hbm4b:s4+s2], $0x80, v3, vm0, $0xb8;
	[tilespmem:$0x16800] =	vst v63  }
0x84: {  	s14 =	simm.s32 $0x10000  }
0x85: {  	[tilespmem:s14], [sflag:$0x2] =	stream.indirect_vreg.gather [hbm4b:s10+s2], $0x80, v3, vm0, $0xb8;
	[tilespmem:$0x16800] =	vst v63  }
0x86: {  	v3 =	vld [tilespmem:$0x70];
	_ =	sdelay $0x4  }
0x87: {  	v61 =	vshll.u32 v3, $0x2  }
0x88: {  	v3 =	vand.u32 $0x7, v3;
	v4 =	vand.u32 $0xFFFFFFE0, v61  }
0x89: {  	v3 =	vor.u32 v3, v4  }
0x8a: {  	v4 =	vperm.xlane v3, v0;
	_ =	sdelay $0x1  }
0x8b: {  	v4 =	vadd.s32 v1, v4;
	_ =	sdelay $0x1  }
0x8c: {  	v3 =	vperm.xlane v3, v2;
	_ =	sdelay $0x1  }
0x8d: {  	s15 =	simm.s32 $0x10800;
	v3 =	vadd.s32 v1, v3  }
0x8e: {  	[tilespmem:s15], [sflag:$0x2] =	stream.indirect_vreg.gather [hbm4b:s4+s2], $0x80, v4, vm0, $0xb8;
	[tilespmem:$0x16800] =	vst v63  }
0x8f: {  	s16 =	simm.s32 $0x11000  }
0x90: {  	[tilespmem:s16], [sflag:$0x2] =	stream.indirect_vreg.gather [hbm4b:s10+s2], $0x80, v4, vm0, $0xb8;
	[tilespmem:$0x16800] =	vst v63  }
0x91: {  	s17 =	simm.s32 $0x11800  }
0x92: {  	[tilespmem:s17], [sflag:$0x2] =	stream.indirect_vreg.gather [hbm4b:s4+s2], $0x80, v3, vm0, $0xb8;
	[tilespmem:$0x16800] =	vst v63  }
0x93: {  	s18 =	simm.s32 $0x12000  }
0x94: {  	[tilespmem:s18], [sflag:$0x2] =	stream.indirect_vreg.gather [hbm4b:s10+s2], $0x80, v3, vm0, $0xb8;
	[tilespmem:$0x16800] =	vst v63  }
0x95: {  	v3 =	vld [tilespmem:$0x80];
	_ =	sdelay $0x4  }
0x96: {  	v62 =	vshll.u32 v3, $0x2  }
0x97: {  	v3 =	vand.u32 $0x7, v3;
	v4 =	vand.u32 $0xFFFFFFE0, v62  }
0x98: {  	v3 =	vor.u32 v3, v4  }
0x99: {  	v4 =	vperm.xlane v3, v0;
	_ =	sdelay $0x1  }
0x9a: {  	v4 =	vadd.s32 v1, v4;
	_ =	sdelay $0x1  }
0x9b: {  	v3 =	vperm.xlane v3, v2;
	_ =	sdelay $0x1  }
0x9c: {  	s19 =	simm.s32 $0x12800;
	v3 =	vadd.s32 v1, v3  }
0x9d: {  	[tilespmem:s19], [sflag:$0x2] =	stream.indirect_vreg.gather [hbm4b:s4+s2], $0x80, v4, vm0, $0xb8;
	[tilespmem:$0x16800] =	vst v63  }
0x9e: {  	s20 =	simm.s32 $0x13000  }
0x9f: {  	[tilespmem:s20], [sflag:$0x2] =	stream.indirect_vreg.gather [hbm4b:s10+s2], $0x80, v4, vm0, $0xb8;
	[tilespmem:$0x16800] =	vst v63  }
0xa0: {  	s21 =	simm.s32 $0x13800  }
0xa1: {  	[tilespmem:s21], [sflag:$0x2] =	stream.indirect_vreg.gather [hbm4b:s4+s2], $0x80, v3, vm0, $0xb8;
	[tilespmem:$0x16800] =	vst v63  }
0xa2: {  	s22 =	simm.s32 $0x14000  }
0xa3: {  	[tilespmem:s22], [sflag:$0x2] =	stream.indirect_vreg.gather [hbm4b:s10+s2], $0x80, v3, vm0, $0xb8;
	[tilespmem:$0x16800] =	vst v63  }
0xa4: {  	v3 =	vld [tilespmem:$0x90];
	_ =	sdelay $0x4  }
0xa5: {  	v63 =	vshll.u32 v3, $0x2  }
0xa6: {  	v3 =	vand.u32 $0x7, v3;
	v4 =	vand.u32 $0xFFFFFFE0, v63  }
0xa7: {  	v3 =	vor.u32 v3, v4  }
0xa8: {  	v4 =	vperm.xlane v3, v0;
	_ =	sdelay $0x1  }
0xa9: {  	s28 =	simm.s32 $0x130;
	v4 =	vadd.s32 v1, v4  }
0xaa: {  	s31 =	simm.s32 $0x15000;
	s30 =	simm.s32 $0x14800;
	s29 =	simm.s32 $0x0  }
0xab: {  	s3 =	simm.s32 $0x16000;
	s5 =	simm.s32 $0x15800;
	s6 =	simm.s32 $0x5800;
	v3 =	vperm.xlane v3, v2  }
0xac: {  	s7 =	simm.s32 $0x6000;
	s8 =	simm.s32 $0x6800;
	s9 =	simm.s32 $0xD800  }
0xad: {  	s11 =	simm.s32 $0x7000;
	s12 =	simm.s32 $0x7800;
	s13 =	simm.s32 $0x8000;
	v3 =	vadd.s32 v1, v3  }
0xae: {  	[tilespmem:s30], [sflag:$0x2] =	stream.indirect_vreg.gather [hbm4b:s4+s2], $0x80, v4, vm0, $0xb8;
	[tilespmem:$0x16800] =	vst v63  }
0xaf: {  	s14 =	simm.s32 $0x8800;
	s15 =	simm.s32 $0x9000;
	s16 =	simm.s32 $0x9800  }
0xb0: {  	[tilespmem:s31], [sflag:$0x2] =	stream.indirect_vreg.gather [hbm4b:s10+s2], $0x80, v4, vm0, $0xb8;
	[tilespmem:$0x16800] =	vst v63  }
0xb1: {  	s17 =	simm.s32 $0xA000;
	s18 =	simm.s32 $0xA800;
	s19 =	simm.s32 $0xB000  }
0xb2: {  	[tilespmem:s5], [sflag:$0x2] =	stream.indirect_vreg.gather [hbm4b:s4+s2], $0x80, v3, vm0, $0xb8;
	[tilespmem:$0x16800] =	vst v63  }
0xb3: {  	s20 =	simm.s32 $0xB800;
	s21 =	simm.s32 $0xC000;
	s22 =	simm.s32 $0xD000  }
0xb4: {  	[tilespmem:s3], [sflag:$0x2] =	stream.indirect_vreg.gather [hbm4b:s10+s2], $0x80, v3, vm0, $0xb8;
	[tilespmem:$0x16800] =	vst v63  }
.LBB2_2:
0xb5: {  	_ =	swait.ge [sflag:s23], $0xA000  }
0xb6: {  	s30 =	rddreg [dreg:$0x3];
	[sflag:s23] =	ssyncset.done $0x0  }
0xb7: {  	s1 =	simm.s32 $0x2800;
	[sflag:s23] =	ssyncadd.s32 $0xFFFF6000;
	s30 =	sadd.s32 s29, s30  }
0xb8: {  	[hbm4b:s30+s2] =	stream.linear.scatter [tilespmem:s1], [sflag:$0x3], $0xA000, $0x38;
	[tilespmem:$0x16800] =	vst v63  }
0xb9: {  	_ =	swait.ge [sflag:s24], $0xA000  }
0xba: {  	[sflag:s24] =	ssyncset.done $0x0  }
0xbb: {  	s0 =	simm.s32 $0xC800;
	s30 =	sadd.s32 $0x1400, s30;
	[sflag:s24] =	ssyncadd.s32 $0xFFFF6000  }
0xbc: {  	[hbm4b:s30+s2] =	stream.linear.scatter [tilespmem:s0], [sflag:$0x4], $0xA000, $0x38;
	[tilespmem:$0x16800] =	vst v63  }
0xbd: {  	_ =	swait.ge [sflag:s25], $0xA000  }
0xbe: {  	[sflag:s25] =	ssyncset.done $0x0  }
0xbf: {  	[sflag:s25] =	ssyncadd.s32 $0xFFFF6000  }
0xc0: {  	v3 =	vld [tilespmem:s28+$0xFFFFFF70];
	_ =	sdelay $0x4  }
0xc1: {  	v4 =	vshll.u32 v3, $0x2  }
0xc2: {  	v3 =	vand.u32 $0x7, v3;
	v4 =	vand.u32 $0xFFFFFFE0, v4  }
0xc3: {  	v3 =	vor.u32 v3, v4  }
0xc4: {  	v4 =	vperm.xlane v3, v0;
	_ =	sdelay $0x1  }
0xc5: {  	v4 =	vadd.s32 v1, v4;
	_ =	sdelay $0x1  }
0xc6: {  	v3 =	vperm.xlane v3, v2;
	_ =	sdelay $0x1  }
0xc7: {  	v3 =	vadd.s32 v1, v3  }
0xc8: {  	[tilespmem:s1], [sflag:$0x1] =	stream.indirect_vreg.gather [hbm4b:s4+s2], $0x80, v4, vm0, $0xb8;
	[tilespmem:$0x16800] =	vst v63  }
0xc9: {  	s30 =	simm.s32 $0x3000  }
0xca: {  	[tilespmem:s30], [sflag:$0x1] =	stream.indirect_vreg.gather [hbm4b:s10+s2], $0x80, v4, vm0, $0xb8;
	[tilespmem:$0x16800] =	vst v63  }
0xcb: {  	s1 =	simm.s32 $0x3800  }
0xcc: {  	[tilespmem:s1], [sflag:$0x1] =	stream.indirect_vreg.gather [hbm4b:s4+s2], $0x80, v3, vm0, $0xb8;
	[tilespmem:$0x16800] =	vst v63  }
0xcd: {  	s1 =	simm.s32 $0x4000  }
0xce: {  	[tilespmem:s1], [sflag:$0x1] =	stream.indirect_vreg.gather [hbm4b:s10+s2], $0x80, v3, vm0, $0xb8;
	[tilespmem:$0x16800] =	vst v63  }
0xcf: {  	v3 =	vld [tilespmem:s28+$0xFFFFFF80];
	_ =	sdelay $0x4  }
0xd0: {  	v55 =	vshll.u32 v3, $0x2  }
0xd1: {  	v3 =	vand.u32 $0x7, v3;
	v4 =	vand.u32 $0xFFFFFFE0, v55  }
0xd2: {  	v3 =	vor.u32 v3, v4  }
0xd3: {  	v4 =	vperm.xlane v3, v0;
	_ =	sdelay $0x1  }
0xd4: {  	v4 =	vadd.s32 v1, v4;
	_ =	sdelay $0x1  }
0xd5: {  	v3 =	vperm.xlane v3, v2;
	_ =	sdelay $0x1  }
0xd6: {  	s1 =	simm.s32 $0x4800;
	v3 =	vadd.s32 v1, v3  }
0xd7: {  	[tilespmem:s1], [sflag:$0x1] =	stream.indirect_vreg.gather [hbm4b:s4+s2], $0x80, v4, vm0, $0xb8;
	[tilespmem:$0x16800] =	vst v63  }
0xd8: {  	s1 =	simm.s32 $0x5000  }
0xd9: {  	[tilespmem:s1], [sflag:$0x1] =	stream.indirect_vreg.gather [hbm4b:s10+s2], $0x80, v4, vm0, $0xb8;
	[tilespmem:$0x16800] =	vst v63  }
0xda: {  	_ = 	snop  }
0xdb: {  	[tilespmem:s6], [sflag:$0x1] =	stream.indirect_vreg.gather [hbm4b:s4+s2], $0x80, v3, vm0, $0xb8;
	[tilespmem:$0x16800] =	vst v63  }
0xdc: {  	_ = 	snop  }
0xdd: {  	[tilespmem:s7], [sflag:$0x1] =	stream.indirect_vreg.gather [hbm4b:s10+s2], $0x80, v3, vm0, $0xb8;
	[tilespmem:$0x16800] =	vst v63  }
0xde: {  	v3 =	vld [tilespmem:s28+$0xFFFFFF90];
	_ =	sdelay $0x4  }
0xdf: {  	v56 =	vshll.u32 v3, $0x2  }
0xe0: {  	v3 =	vand.u32 $0x7, v3;
	v4 =	vand.u32 $0xFFFFFFE0, v56  }
0xe1: {  	v3 =	vor.u32 v3, v4  }
0xe2: {  	v4 =	vperm.xlane v3, v0;
	_ =	sdelay $0x1  }
0xe3: {  	v4 =	vadd.s32 v1, v4;
	_ =	sdelay $0x1  }
0xe4: {  	v3 =	vperm.xlane v3, v2;
	_ =	sdelay $0x1  }
0xe5: {  	v3 =	vadd.s32 v1, v3  }
0xe6: {  	[tilespmem:s8], [sflag:$0x1] =	stream.indirect_vreg.gather [hbm4b:s4+s2], $0x80, v4, vm0, $0xb8;
	[tilespmem:$0x16800] =	vst v63  }
0xe7: {  	_ = 	snop  }
0xe8: {  	[tilespmem:s11], [sflag:$0x1] =	stream.indirect_vreg.gather [hbm4b:s10+s2], $0x80, v4, vm0, $0xb8;
	[tilespmem:$0x16800] =	vst v63  }
0xe9: {  	_ = 	snop  }
0xea: {  	[tilespmem:s12], [sflag:$0x1] =	stream.indirect_vreg.gather [hbm4b:s4+s2], $0x80, v3, vm0, $0xb8;
	[tilespmem:$0x16800] =	vst v63  }
0xeb: {  	_ = 	snop  }
0xec: {  	[tilespmem:s13], [sflag:$0x1] =	stream.indirect_vreg.gather [hbm4b:s10+s2], $0x80, v3, vm0, $0xb8;
	[tilespmem:$0x16800] =	vst v63  }
0xed: {  	v3 =	vld [tilespmem:s28+$0xFFFFFFA0];
	_ =	sdelay $0x4  }
0xee: {  	v57 =	vshll.u32 v3, $0x2  }
0xef: {  	v3 =	vand.u32 $0x7, v3;
	v4 =	vand.u32 $0xFFFFFFE0, v57  }
0xf0: {  	v3 =	vor.u32 v3, v4  }
0xf1: {  	v4 =	vperm.xlane v3, v0;
	_ =	sdelay $0x1  }
0xf2: {  	v4 =	vadd.s32 v1, v4;
	_ =	sdelay $0x1  }
0xf3: {  	v3 =	vperm.xlane v3, v2;
	_ =	sdelay $0x1  }
0xf4: {  	v3 =	vadd.s32 v1, v3  }
0xf5: {  	[tilespmem:s14], [sflag:$0x1] =	stream.indirect_vreg.gather [hbm4b:s4+s2], $0x80, v4, vm0, $0xb8;
	[tilespmem:$0x16800] =	vst v63  }
0xf6: {  	_ = 	snop  }
0xf7: {  	[tilespmem:s15], [sflag:$0x1] =	stream.indirect_vreg.gather [hbm4b:s10+s2], $0x80, v4, vm0, $0xb8;
	[tilespmem:$0x16800] =	vst v63  }
0xf8: {  	_ = 	snop  }
0xf9: {  	[tilespmem:s16], [sflag:$0x1] =	stream.indirect_vreg.gather [hbm4b:s4+s2], $0x80, v3, vm0, $0xb8;
	[tilespmem:$0x16800] =	vst v63  }
0xfa: {  	_ = 	snop  }
0xfb: {  	[tilespmem:s17], [sflag:$0x1] =	stream.indirect_vreg.gather [hbm4b:s10+s2], $0x80, v3, vm0, $0xb8;
	[tilespmem:$0x16800] =	vst v63  }
0xfc: {  	v3 =	vld [tilespmem:s28+$0xFFFFFFB0];
	_ =	sdelay $0x4  }
0xfd: {  	v58 =	vshll.u32 v3, $0x2  }
0xfe: {  	v3 =	vand.u32 $0x7, v3;
	v4 =	vand.u32 $0xFFFFFFE0, v58  }
0xff: {  	v3 =	vor.u32 v3, v4  }
0x100: {  	v4 =	vperm.xlane v3, v0;
	_ =	sdelay $0x1  }
0x101: {  	v4 =	vadd.s32 v1, v4;
	_ =	sdelay $0x1  }
0x102: {  	v3 =	vperm.xlane v3, v2;
	_ =	sdelay $0x1  }
0x103: {  	v3 =	vadd.s32 v1, v3  }
0x104: {  	[tilespmem:s18], [sflag:$0x1] =	stream.indirect_vreg.gather [hbm4b:s4+s2], $0x80, v4, vm0, $0xb8;
	[tilespmem:$0x16800] =	vst v63  }
0x105: {  	_ = 	snop  }
0x106: {  	[tilespmem:s19], [sflag:$0x1] =	stream.indirect_vreg.gather [hbm4b:s10+s2], $0x80, v4, vm0, $0xb8;
	[tilespmem:$0x16800] =	vst v63  }
0x107: {  	_ = 	snop  }
0x108: {  	[tilespmem:s20], [sflag:$0x1] =	stream.indirect_vreg.gather [hbm4b:s4+s2], $0x80, v3, vm0, $0xb8;
	[tilespmem:$0x16800] =	vst v63  }
0x109: {  	_ = 	snop  }
0x10a: {  	[tilespmem:s21], [sflag:$0x1] =	stream.indirect_vreg.gather [hbm4b:s10+s2], $0x80, v3, vm0, $0xb8;
	[tilespmem:$0x16800] =	vst v63  }
0x10b: {  	_ =	swait.ge [sflag:s26], $0xA000  }
0x10c: {  	[sflag:s26] =	ssyncset.done $0x0  }
0x10d: {  	[sflag:s26] =	ssyncadd.s32 $0xFFFF6000  }
0x10e: {  	v3 =	vld [tilespmem:s28+$0xFFFFFFC0];
	_ =	sdelay $0x4  }
0x10f: {  	v59 =	vshll.u32 v3, $0x2  }
0x110: {  	v3 =	vand.u32 $0x7, v3;
	v4 =	vand.u32 $0xFFFFFFE0, v59  }
0x111: {  	v3 =	vor.u32 v3, v4  }
0x112: {  	v4 =	vperm.xlane v3, v0;
	_ =	sdelay $0x1  }
0x113: {  	v4 =	vadd.s32 v1, v4;
	_ =	sdelay $0x1  }
0x114: {  	v3 =	vperm.xlane v3, v2;
	_ =	sdelay $0x1  }
0x115: {  	v3 =	vadd.s32 v1, v3  }
0x116: {  	[tilespmem:s0], [sflag:$0x2] =	stream.indirect_vreg.gather [hbm4b:s4+s2], $0x80, v4, vm0, $0xb8;
	[tilespmem:$0x16800] =	vst v63  }
0x117: {  	_ = 	snop  }
0x118: {  	[tilespmem:s22], [sflag:$0x2] =	stream.indirect_vreg.gather [hbm4b:s10+s2], $0x80, v4, vm0, $0xb8;
	[tilespmem:$0x16800] =	vst v63  }
0x119: {  	_ = 	snop  }
0x11a: {  	[tilespmem:s9], [sflag:$0x2] =	stream.indirect_vreg.gather [hbm4b:s4+s2], $0x80, v3, vm0, $0xb8;
	[tilespmem:$0x16800] =	vst v63  }
0x11b: {  	s0 =	simm.s32 $0xE000  }
0x11c: {  	[tilespmem:s0], [sflag:$0x2] =	stream.indirect_vreg.gather [hbm4b:s10+s2], $0x80, v3, vm0, $0xb8;
	[tilespmem:$0x16800] =	vst v63  }
0x11d: {  	v3 =	vld [tilespmem:s28+$0xFFFFFFD0];
	_ =	sdelay $0x4  }
0x11e: {  	v60 =	vshll.u32 v3, $0x2  }
0x11f: {  	v3 =	vand.u32 $0x7, v3;
	v4 =	vand.u32 $0xFFFFFFE0, v60  }
0x120: {  	v3 =	vor.u32 v3, v4  }
0x121: {  	v4 =	vperm.xlane v3, v0;
	_ =	sdelay $0x1  }
0x122: {  	v4 =	vadd.s32 v1, v4;
	_ =	sdelay $0x1  }
0x123: {  	v3 =	vperm.xlane v3, v2;
	_ =	sdelay $0x1  }
0x124: {  	s0 =	simm.s32 $0xE800;
	v3 =	vadd.s32 v1, v3  }
0x125: {  	[tilespmem:s0], [sflag:$0x2] =	stream.indirect_vreg.gather [hbm4b:s4+s2], $0x80, v4, vm0, $0xb8;
	[tilespmem:$0x16800] =	vst v63  }
0x126: {  	s0 =	simm.s32 $0xF000  }
0x127: {  	[tilespmem:s0], [sflag:$0x2] =	stream.indirect_vreg.gather [hbm4b:s10+s2], $0x80, v4, vm0, $0xb8;
	[tilespmem:$0x16800] =	vst v63  }
0x128: {  	s0 =	simm.s32 $0xF800  }
0x129: {  	[tilespmem:s0], [sflag:$0x2] =	stream.indirect_vreg.gather [hbm4b:s4+s2], $0x80, v3, vm0, $0xb8;
	[tilespmem:$0x16800] =	vst v63  }
0x12a: {  	s0 =	simm.s32 $0x10000  }
0x12b: {  	[tilespmem:s0], [sflag:$0x2] =	stream.indirect_vreg.gather [hbm4b:s10+s2], $0x80, v3, vm0, $0xb8;
	[tilespmem:$0x16800] =	vst v63  }
0x12c: {  	v3 =	vld [tilespmem:s28+$0xFFFFFFE0];
	_ =	sdelay $0x4  }
0x12d: {  	v61 =	vshll.u32 v3, $0x2  }
0x12e: {  	v3 =	vand.u32 $0x7, v3;
	v4 =	vand.u32 $0xFFFFFFE0, v61  }
0x12f: {  	v3 =	vor.u32 v3, v4  }
0x130: {  	v4 =	vperm.xlane v3, v0;
	_ =	sdelay $0x1  }
0x131: {  	v4 =	vadd.s32 v1, v4;
	_ =	sdelay $0x1  }
0x132: {  	v3 =	vperm.xlane v3, v2;
	_ =	sdelay $0x1  }
0x133: {  	s0 =	simm.s32 $0x10800;
	v3 =	vadd.s32 v1, v3  }
0x134: {  	[tilespmem:s0], [sflag:$0x2] =	stream.indirect_vreg.gather [hbm4b:s4+s2], $0x80, v4, vm0, $0xb8;
	[tilespmem:$0x16800] =	vst v63  }
0x135: {  	s0 =	simm.s32 $0x11000  }
0x136: {  	[tilespmem:s0], [sflag:$0x2] =	stream.indirect_vreg.gather [hbm4b:s10+s2], $0x80, v4, vm0, $0xb8;
	[tilespmem:$0x16800] =	vst v63  }
0x137: {  	s0 =	simm.s32 $0x11800  }
0x138: {  	[tilespmem:s0], [sflag:$0x2] =	stream.indirect_vreg.gather [hbm4b:s4+s2], $0x80, v3, vm0, $0xb8;
	[tilespmem:$0x16800] =	vst v63  }
0x139: {  	s0 =	simm.s32 $0x12000  }
0x13a: {  	[tilespmem:s0], [sflag:$0x2] =	stream.indirect_vreg.gather [hbm4b:s10+s2], $0x80, v3, vm0, $0xb8;
	[tilespmem:$0x16800] =	vst v63  }
0x13b: {  	v3 =	vld [tilespmem:s28+$0xFFFFFFF0];
	_ =	sdelay $0x4  }
0x13c: {  	v62 =	vshll.u32 v3, $0x2  }
0x13d: {  	v3 =	vand.u32 $0x7, v3;
	v4 =	vand.u32 $0xFFFFFFE0, v62  }
0x13e: {  	v3 =	vor.u32 v3, v4  }
0x13f: {  	v4 =	vperm.xlane v3, v0;
	_ =	sdelay $0x1  }
0x140: {  	v4 =	vadd.s32 v1, v4;
	_ =	sdelay $0x1  }
0x141: {  	v3 =	vperm.xlane v3, v2;
	_ =	sdelay $0x1  }
0x142: {  	s0 =	simm.s32 $0x12800;
	v3 =	vadd.s32 v1, v3  }
0x143: {  	[tilespmem:s0], [sflag:$0x2] =	stream.indirect_vreg.gather [hbm4b:s4+s2], $0x80, v4, vm0, $0xb8;
	[tilespmem:$0x16800] =	vst v63  }
0x144: {  	s0 =	simm.s32 $0x13000  }
0x145: {  	[tilespmem:s0], [sflag:$0x2] =	stream.indirect_vreg.gather [hbm4b:s10+s2], $0x80, v4, vm0, $0xb8;
	[tilespmem:$0x16800] =	vst v63  }
0x146: {  	s0 =	simm.s32 $0x13800  }
0x147: {  	[tilespmem:s0], [sflag:$0x2] =	stream.indirect_vreg.gather [hbm4b:s4+s2], $0x80, v3, vm0, $0xb8;
	[tilespmem:$0x16800] =	vst v63  }
0x148: {  	s0 =	simm.s32 $0x14000  }
0x149: {  	[tilespmem:s0], [sflag:$0x2] =	stream.indirect_vreg.gather [hbm4b:s10+s2], $0x80, v3, vm0, $0xb8;
	[tilespmem:$0x16800] =	vst v63  }
0x14a: {  	v3 =	vld [tilespmem:s28+$0x0];
	_ =	sdelay $0x4  }
0x14b: {  	v63 =	vshll.u32 v3, $0x2  }
0x14c: {  	v3 =	vand.u32 $0x7, v3;
	v4 =	vand.u32 $0xFFFFFFE0, v63  }
0x14d: {  	v3 =	vor.u32 v3, v4  }
0x14e: {  	v4 =	vperm.xlane v3, v0;
	_ =	sdelay $0x1  }
0x14f: {  	v4 =	vadd.s32 v1, v4;
	_ =	sdelay $0x2  }
0x150: {  	v3 =	vperm.xlane v3, v2  }
0x151: {  	s0 =	simm.s32 $0x14800  }
0x152: {  	v3 =	vadd.s32 v1, v3;
	[tilespmem:s0], [sflag:$0x2] =	stream.indirect_vreg.gather [hbm4b:s4+s2], $0x80, v4, vm0, $0xb8;
	[tilespmem:$0x16800] =	vst v63  }
0x153: {  	p0 =	sne.s32 s29, $0x9B000;
	s0 =	simm.s32 $0x15000  }
0x154: {  	[tilespmem:s0], [sflag:$0x2] =	stream.indirect_vreg.gather [hbm4b:s10+s2], $0x80, v4, vm0, $0xb8;
	[tilespmem:$0x16800] =	vst v63  }
.Ltmp0:
0x155: {  	_ = 	snop;
	(pc) =	sbr.rel @p0 .LBB2_2-.Ltmp0, $4  }
0x156: {  	s31 =	simm.s32 $0x2800  }
0x157: {  	[tilespmem:s5], [sflag:$0x2] =	stream.indirect_vreg.gather [hbm4b:s4+s2], $0x80, v3, vm0, $0xb8;
	[tilespmem:$0x16800] =	vst v63  }
0x158: {  	s29 =	sadd.s32 $0x2800, s29;
	s1 =	simm.s32 $0xC800;
	s28 =	sadd.s32 $0xA0, s28  }
0x159: {  	[tilespmem:s3], [sflag:$0x2] =	stream.indirect_vreg.gather [hbm4b:s10+s2], $0x80, v3, vm0, $0xb8;
	[tilespmem:$0x16800] =	vst v63  }
0x15a: {  	_ =	swait.ge [sflag:s23], $0xA000  }
0x15b: {  	[sflag:s23] =	ssyncset.done $0x0  }
0x15c: {  	s28 =	rddreg [dreg:$0x5];
	[sflag:s23] =	ssyncadd.s32 $0xFFFF6000  }
0x15d: {  	[hbm4b:s28+s2] =	stream.linear.scatter [tilespmem:s31], [sflag:$0x3], $0xA000, $0x38;
	[tilespmem:$0x16800] =	vst v63  }
0x15e: {  	_ =	swait.ge [sflag:s24], $0xA000  }
0x15f: {  	[sflag:s24] =	ssyncset.done $0x0  }
0x160: {  	s21 =	rddreg [dreg:$0x6];
	[sflag:s24] =	ssyncadd.s32 $0xFFFF6000  }
0x161: {  	[hbm4b:s21+s2] =	stream.linear.scatter [tilespmem:s1], [sflag:$0x4], $0xA000, $0x38;
	[tilespmem:$0x16800] =	vst v63  }
0x162: {  	_ =	swait.ge [sflag:s25], $0xA000  }
0x163: {  	[sflag:s25] =	ssyncset.done $0x0  }
0x164: {  	s29 =	simm.s32 $0x3800;
	s3 =	simm.s32 $0x4800;
	[sflag:s25] =	ssyncadd.s32 $0xFFFF6000  }
0x165: {  	s5 =	simm.s32 $0x5000;
	s6 =	simm.s32 $0x5800;
	_ =	swait.ge [sflag:s26], $0xA000  }
0x166: {  	s7 =	simm.s32 $0x6000;
	s8 =	simm.s32 $0x6800;
	s0 =	rddreg [dreg:$0x8]  }
0x167: {  	s11 =	simm.s32 $0x7000;
	s22 =	rddreg [dreg:$0x7];
	s0 =	sadd.s32 $0x1, s0  }
0x168: {  	s12 =	simm.s32 $0x7800;
	s13 =	simm.s32 $0x8000;
	p0 =	sne.s32 s0, s22  }
.Ltmp1:
0x169: {  	s14 =	simm.s32 $0x8800;
	s15 =	simm.s32 $0x9000;
	(pc) =	sbr.rel @p0 .LBB2_1-.Ltmp1, $4  }
0x16a: {  	s16 =	simm.s32 $0x9800;
	s17 =	simm.s32 $0xA000;
	s18 =	simm.s32 $0xA800  }
0x16b: {  	s19 =	simm.s32 $0xB000;
	s20 =	simm.s32 $0xB800;
	[sflag:s26] =	ssyncset.done $0x0  }
0x16c: {  	s9 =	simm.s32 $0xD800;
	s21 =	simm.s32 $0xC000;
	[sflag:s26] =	ssyncadd.s32 $0xFFFF6000  }
0x16d: {  	[dreg:$0x8] =	wrdreg s0;
	s0 =	simm.s32 $0x4000;
	s22 =	simm.s32 $0xD000  }
0x16e: {  	_ =	sfence.sel $0x180000  }
0x16f: {  	[bflag:$0x0] =	sbarrier.arrive $0xFFFF  }
0x170: {  	_ =	strace $0x90000047  }
0x171: {  	s0 =	stileid.u32;
	[bflag:$0x2] =	sbarrier.arrive $0xFFFF  }
0x172: {  	p0 =	sne.s32 s0, $0x0;
	s0 =	rddreg [dreg:$0x2]  }
0x173: {  	s0 =	sadd.s32 @!p0 $0x100000, s0  }
0x174: {  	[sflag:s0] =	ssyncadd.tile.s32 @!p0 $0x1;
	_ =	shalt  }
.Lfunc_end2:
_tile_overlayer_lowered:
.L_overlay_start_2:
0x175: {  	(tag) =	ssettag $0x2  }
0x176: {  	s0 =	rddreg [dreg:$0x0];
	s2 =	stileid.u32  }
0x177: {  	s1 =	rddreg [dreg:$0x1];
	p0 =	sne.s32 s2, $0x0  }
0x178: {  	s3 =	rddreg [dreg:$0x2];
	[bflag:$0x3] =	sbarrier.arrive $0xFFFF;
	s2 =	simm.s32 @!p0 $0x1C05  }
0x179: {  	[timem:s3], [sflag:s2] =	dma.local @!p0 [hbm:s0], s1  }
0x17a: {  	s0 =	simm.s32 @!p0 $0x5  }
0x17b: {  	_ =	swait.ge @!p0 [sflag:s0], s1  }
0x17c: {  	s1 =	ssub.s32 @!p0 $0x0, s1;
	[sflag:s0] =	ssyncset.done @!p0 $0x0  }
0x17d: {  	[sflag:s0] =	ssyncadd.s32 @!p0 s1  }
0x17e: {  	[bflag:$0x3] =	sbarrier.arrive $0xFFFF  }
0x17f: {  	_ =	shalt  }

</sc_bundles>
